<compile_context>
chip_gen: v7x
topology: tpu7x:2x2x1
jax: 0.10.2.dev20260603
libtpu: 0.0.44.dev20260713+nightly
codegen_flags: <defaults>
</compile_context>

<pallas_src>
import functools

import jax
import jax.numpy as jnp
from jax import lax
from jax.experimental import pallas as pl
from jax.experimental.pallas import tpu as pltpu
from jax.experimental.pallas import tpu_sc as plsc


def _make_gather(B, D):
    info = plsc.get_sparse_core_info()
    NC, NS = info.num_cores, info.num_subcores
    NW = NC * NS
    assert B % NW == 0
    b_per_w = B // NW
    C = 800
    NBUF = 4
    assert b_per_w % C == 0
    n_chunks = b_per_w // C

    mesh = plsc.VectorSubcoreMesh(core_axis_name="c", subcore_axis_name="s")

    @functools.partial(
        pl.kernel,
        mesh=mesh,
        out_type=jax.ShapeDtypeStruct((B, D), jnp.float32),
        scratch_types=[
            pltpu.VMEM((b_per_w,), jnp.int32),
            [pltpu.VMEM((C, D), jnp.float32) for _ in range(NBUF)],
            [pltpu.SemaphoreType.DMA for _ in range(NBUF)],
            [pltpu.SemaphoreType.DMA for _ in range(NBUF)],
        ],
        compiler_params=pltpu.CompilerParams(use_tc_tiling_on_sc=False),
    )
    def gather_kernel(idx_hbm, table_hbm, out_hbm, idx_v, bufs, gsems, wsems):
        wid = lax.axis_index("s") * NC + lax.axis_index("c")
        base = wid * b_per_w
        pltpu.sync_copy(idx_hbm.at[pl.ds(base, b_per_w)], idx_v)

        def start_gather(ci, b):
            return pltpu.async_copy(
                table_hbm.at[idx_v.at[pl.ds(ci * C, C)]], bufs[b], gsems[b]
            )

        gathers = {}
        writes = {}
        for b in range(min(NBUF, n_chunks)):
            gathers[b] = start_gather(b, b)
        for ci in range(n_chunks):
            b = ci % NBUF
            gathers[b].wait()
            writes[b] = pltpu.async_copy(
                bufs[b], out_hbm.at[pl.ds(base + ci * C, C)], wsems[b]
            )
            nxt = ci + NBUF
            if nxt < n_chunks:
                writes[b].wait()
                gathers[b] = start_gather(nxt, b)
        for b in range(min(NBUF, n_chunks)):
            writes[(n_chunks - NBUF + b) % NBUF].wait()

    return gather_kernel


def kernel(x, table):
    B = x.shape[0] * x.shape[1]
    D = table.shape[1]
    flat_idx = x.reshape(B).astype(jnp.int32)
    out = _make_gather(B, D)(flat_idx, table)
    return out.reshape(x.shape + (D,))

# --- scband reference (transcript-rebuilt; emitter-appended) ---
"""Pipeline reference for scband-rec-embedding-77438260347259 (READ-ONLY COPY).

The authoritative reference and input builder live on the scoring server;
editing this copy changes nothing except your own understanding.
"""

import jax, jax.numpy as jnp
import numpy as np

NUM_EMBEDDINGS = 1000000
EMBEDDING_DIM = 32
PADDING_IDX = 0
INIT_STD = 0.0001


def setup_inputs(seed: int = 0) -> dict:
    key = jax.random.key(seed)
    k_idx, k_tab = jax.random.split(key)
    x = jax.random.randint(k_idx, (4096, 50), 0, NUM_EMBEDDINGS, dtype=jnp.int64) if jax.config.jax_enable_x64 else jax.random.randint(k_idx, (4096, 50), 0, NUM_EMBEDDINGS, dtype=jnp.int32)
    table = jax.random.normal(k_tab, (NUM_EMBEDDINGS, EMBEDDING_DIM), dtype=jnp.float32) * INIT_STD
    table = table.at[PADDING_IDX].set(0.0)
    return {"x": x, "table": table}


def reference(x, table):
    # nn.Embedding forward: row gather from the embedding table
    return jnp.take(table, x, axis=0)

if __name__ == "__main__":
    import jax
    _d = setup_inputs()
    print(jax.jit(kernel)(*tuple(_d.values())))

</pallas_src>

<mosaic_0001>
#map = affine_map<(d0, d1) -> (0)>
#map1 = affine_map<(d0, d1) -> (0, 0)>
module attributes {stable_mosaic.version = 14 : i64} {
  func.func @gather_kernel(%arg0: i32, %arg1: i32, %arg2: memref<204800xi32, #tpu.memory_space<hbm>>, %arg3: memref<1000000x32xf32, #tpu.memory_space<hbm>>, %arg4: memref<204800x32xf32, #tpu.memory_space<hbm>>, %arg5: memref<6400xi32, #tpu.memory_space<vmem>>, %arg6: memref<800x32xf32, #tpu.memory_space<vmem>>, %arg7: memref<800x32xf32, #tpu.memory_space<vmem>>, %arg8: memref<800x32xf32, #tpu.memory_space<vmem>>, %arg9: memref<800x32xf32, #tpu.memory_space<vmem>>, %arg10: memref<!tpu.dma_semaphore, #tpu.memory_space<semaphore_mem>>, %arg11: memref<!tpu.dma_semaphore, #tpu.memory_space<semaphore_mem>>, %arg12: memref<!tpu.dma_semaphore, #tpu.memory_space<semaphore_mem>>, %arg13: memref<!tpu.dma_semaphore, #tpu.memory_space<semaphore_mem>>, %arg14: memref<!tpu.dma_semaphore, #tpu.memory_space<semaphore_mem>>, %arg15: memref<!tpu.dma_semaphore, #tpu.memory_space<semaphore_mem>>, %arg16: memref<!tpu.dma_semaphore, #tpu.memory_space<semaphore_mem>>, %arg17: memref<!tpu.dma_semaphore, #tpu.memory_space<semaphore_mem>>) attributes {dimension_semantics = [#tpu.dimension_semantics<core_parallel>, #tpu.dimension_semantics<subcore_parallel>], iteration_bounds = array<i64: 2, 16>, scalar_prefetch = 0 : i64, scratch_operands = 13 : i64, tpu.core_type = #tpu.core_type<sc_vector_subcore>, window_params = [{transform_indices = #map}, {transform_indices = #map1}, {transform_indices = #map1}]} {
    %mul3A = arith.constant 2 : i32
    %mul3A_0 = arith.muli %arg1, %mul3A : i32
    %add3A = arith.addi %mul3A_0, %arg0 : i32
    %mul3A_1 = arith.constant 6400 : i32
    %mul3A_2 = arith.muli %add3A, %mul3A_1 : i32
    "tpu.region"() ({
      %run_scoped3A = tpu.sem_alloc : memref<!tpu.dma_semaphore, #tpu.memory_space<semaphore_mem>>
      %dma_start3A_161 = tpu.memref_slice %arg2[%mul3A_2] : memref<204800xi32, #tpu.memory_space<hbm>> -> memref<6400xi32, #tpu.memory_space<hbm>>
      %dma_start3A_162 = tpu.memref_slice %arg2[%mul3A_2] : memref<204800xi32, #tpu.memory_space<hbm>> -> memref<6400xi32, #tpu.memory_space<hbm>>
      tpu.enqueue_dma source(%dma_start3A_162 : memref<6400xi32, #tpu.memory_space<hbm>>) target(%arg5 : memref<6400xi32, #tpu.memory_space<vmem>>) target_semaphore(%run_scoped3A : memref<!tpu.dma_semaphore, #tpu.memory_space<semaphore_mem>>)
      %dma_wait3A_163 = tpu.memref_slice %arg2[%mul3A_2] : memref<204800xi32, #tpu.memory_space<hbm>> -> memref<6400xi32, #tpu.memory_space<hbm>>
      %dma_wait3A_164 = tpu.memref_slice %arg2[%mul3A_2] : memref<204800xi32, #tpu.memory_space<hbm>> -> memref<6400xi32, #tpu.memory_space<hbm>>
      tpu.wait_dma2 semaphore(%run_scoped3A : memref<!tpu.dma_semaphore, #tpu.memory_space<semaphore_mem>>) src(%dma_wait3A_164 : memref<6400xi32, #tpu.memory_space<hbm>>) dst(%arg5 : memref<6400xi32, #tpu.memory_space<vmem>>)
      tpu.yield
    }) : () -> ()
    %dma_start3A = arith.constant 0 : i32
    %dma_start3A_3 = tpu.memref_slice %arg5[%dma_start3A] : memref<6400xi32, #tpu.memory_space<vmem>> -> memref<800xi32, #tpu.memory_space<vmem>>
    %dma_start3A_4 = arith.constant 0 : i32
    %dma_start3A_5 = arith.constant 0 : i32
    %dma_start3A_6 = tpu.memref_slice %arg3[%dma_start3A_4, %dma_start3A_5] : memref<1000000x32xf32, #tpu.memory_space<hbm>> -> memref<1000000x32xf32, #tpu.memory_space<hbm>>
    tpu.enqueue_indirect_dma source(%dma_start3A_6 : memref<1000000x32xf32, #tpu.memory_space<hbm>>) target(%arg6 : memref<800x32xf32, #tpu.memory_space<vmem>>) offsets(%dma_start3A_3 : memref<800xi32, #tpu.memory_space<vmem>>) semaphore(%arg10 : memref<!tpu.dma_semaphore, #tpu.memory_space<semaphore_mem>>)
    %dma_start3A_7 = arith.constant 800 : i32
    %dma_start3A_8 = tpu.memref_slice %arg5[%dma_start3A_7] : memref<6400xi32, #tpu.memory_space<vmem>> -> memref<800xi32, #tpu.memory_space<vmem>>
    %dma_start3A_9 = arith.constant 0 : i32
    %dma_start3A_10 = arith.constant 0 : i32
    %dma_start3A_11 = tpu.memref_slice %arg3[%dma_start3A_9, %dma_start3A_10] : memref<1000000x32xf32, #tpu.memory_space<hbm>> -> memref<1000000x32xf32, #tpu.memory_space<hbm>>
    tpu.enqueue_indirect_dma source(%dma_start3A_11 : memref<1000000x32xf32, #tpu.memory_space<hbm>>) target(%arg7 : memref<800x32xf32, #tpu.memory_space<vmem>>) offsets(%dma_start3A_8 : memref<800xi32, #tpu.memory_space<vmem>>) semaphore(%arg11 : memref<!tpu.dma_semaphore, #tpu.memory_space<semaphore_mem>>)
    %dma_start3A_12 = arith.constant 1600 : i32
    %dma_start3A_13 = tpu.memref_slice %arg5[%dma_start3A_12] : memref<6400xi32, #tpu.memory_space<vmem>> -> memref<800xi32, #tpu.memory_space<vmem>>
    %dma_start3A_14 = arith.constant 0 : i32
    %dma_start3A_15 = arith.constant 0 : i32
    %dma_start3A_16 = tpu.memref_slice %arg3[%dma_start3A_14, %dma_start3A_15] : memref<1000000x32xf32, #tpu.memory_space<hbm>> -> memref<1000000x32xf32, #tpu.memory_space<hbm>>
    tpu.enqueue_indirect_dma source(%dma_start3A_16 : memref<1000000x32xf32, #tpu.memory_space<hbm>>) target(%arg8 : memref<800x32xf32, #tpu.memory_space<vmem>>) offsets(%dma_start3A_13 : memref<800xi32, #tpu.memory_space<vmem>>) semaphore(%arg12 : memref<!tpu.dma_semaphore, #tpu.memory_space<semaphore_mem>>)
    %dma_start3A_17 = arith.constant 2400 : i32
    %dma_start3A_18 = tpu.memref_slice %arg5[%dma_start3A_17] : memref<6400xi32, #tpu.memory_space<vmem>> -> memref<800xi32, #tpu.memory_space<vmem>>
    %dma_start3A_19 = arith.constant 0 : i32
    %dma_start3A_20 = arith.constant 0 : i32
    %dma_start3A_21 = tpu.memref_slice %arg3[%dma_start3A_19, %dma_start3A_20] : memref<1000000x32xf32, #tpu.memory_space<hbm>> -> memref<1000000x32xf32, #tpu.memory_space<hbm>>
    tpu.enqueue_indirect_dma source(%dma_start3A_21 : memref<1000000x32xf32, #tpu.memory_space<hbm>>) target(%arg9 : memref<800x32xf32, #tpu.memory_space<vmem>>) offsets(%dma_start3A_18 : memref<800xi32, #tpu.memory_space<vmem>>) semaphore(%arg13 : memref<!tpu.dma_semaphore, #tpu.memory_space<semaphore_mem>>)
    %dma_wait3A = arith.constant 0 : i32
    %dma_wait3A_22 = tpu.memref_slice %arg5[%dma_wait3A] : memref<6400xi32, #tpu.memory_space<vmem>> -> memref<800xi32, #tpu.memory_space<vmem>>
    %dma_wait3A_23 = arith.constant 0 : i32
    %dma_wait3A_24 = arith.constant 0 : i32
    %dma_wait3A_25 = tpu.memref_slice %arg3[%dma_wait3A_23, %dma_wait3A_24] : memref<1000000x32xf32, #tpu.memory_space<hbm>> -> memref<1000000x32xf32, #tpu.memory_space<hbm>>
    tpu.wait_indirect_dma semaphore(%arg10 : memref<!tpu.dma_semaphore, #tpu.memory_space<semaphore_mem>>) src(%dma_wait3A_25 : memref<1000000x32xf32, #tpu.memory_space<hbm>>) dst(%arg6 : memref<800x32xf32, #tpu.memory_space<vmem>>)
    %add3A_26 = arith.constant 0 : i32
    %add3A_27 = arith.addi %mul3A_2, %add3A_26 : i32
    %dma_start3A_28 = arith.constant 0 : i32
    %dma_start3A_29 = tpu.memref_slice %arg4[%add3A_27, %dma_start3A_28] : memref<204800x32xf32, #tpu.memory_space<hbm>> -> memref<800x32xf32, #tpu.memory_space<hbm>>
    %dma_start3A_30 = arith.constant 0 : i32
    %dma_start3A_31 = tpu.memref_slice %arg4[%add3A_27, %dma_start3A_30] : memref<204800x32xf32, #tpu.memory_space<hbm>> -> memref<800x32xf32, #tpu.memory_space<hbm>>
    tpu.enqueue_dma source(%arg6 : memref<800x32xf32, #tpu.memory_space<vmem>>) target(%dma_start3A_31 : memref<800x32xf32, #tpu.memory_space<hbm>>) target_semaphore(%arg14 : memref<!tpu.dma_semaphore, #tpu.memory_space<semaphore_mem>>)
    %dma_wait3A_32 = arith.constant 0 : i32
    %dma_wait3A_33 = tpu.memref_slice %arg4[%add3A_27, %dma_wait3A_32] : memref<204800x32xf32, #tpu.memory_space<hbm>> -> memref<800x32xf32, #tpu.memory_space<hbm>>
    %dma_wait3A_34 = arith.constant 0 : i32
    %dma_wait3A_35 = tpu.memref_slice %arg4[%add3A_27, %dma_wait3A_34] : memref<204800x32xf32, #tpu.memory_space<hbm>> -> memref<800x32xf32, #tpu.memory_space<hbm>>
    tpu.wait_dma2 semaphore(%arg14 : memref<!tpu.dma_semaphore, #tpu.memory_space<semaphore_mem>>) src(%arg6 : memref<800x32xf32, #tpu.memory_space<vmem>>) dst(%dma_wait3A_35 : memref<800x32xf32, #tpu.memory_space<hbm>>)
    %dma_start3A_36 = arith.constant 3200 : i32
    %dma_start3A_37 = tpu.memref_slice %arg5[%dma_start3A_36] : memref<6400xi32, #tpu.memory_space<vmem>> -> memref<800xi32, #tpu.memory_space<vmem>>
    %dma_start3A_38 = arith.constant 0 : i32
    %dma_start3A_39 = arith.constant 0 : i32
    %dma_start3A_40 = tpu.memref_slice %arg3[%dma_start3A_38, %dma_start3A_39] : memref<1000000x32xf32, #tpu.memory_space<hbm>> -> memref<1000000x32xf32, #tpu.memory_space<hbm>>
    tpu.enqueue_indirect_dma source(%dma_start3A_40 : memref<1000000x32xf32, #tpu.memory_space<hbm>>) target(%arg6 : memref<800x32xf32, #tpu.memory_space<vmem>>) offsets(%dma_start3A_37 : memref<800xi32, #tpu.memory_space<vmem>>) semaphore(%arg10 : memref<!tpu.dma_semaphore, #tpu.memory_space<semaphore_mem>>)
    %dma_wait3A_41 = arith.constant 800 : i32
    %dma_wait3A_42 = tpu.memref_slice %arg5[%dma_wait3A_41] : memref<6400xi32, #tpu.memory_space<vmem>> -> memref<800xi32, #tpu.memory_space<vmem>>
    %dma_wait3A_43 = arith.constant 0 : i32
    %dma_wait3A_44 = arith.constant 0 : i32
    %dma_wait3A_45 = tpu.memref_slice %arg3[%dma_wait3A_43, %dma_wait3A_44] : memref<1000000x32xf32, #tpu.memory_space<hbm>> -> memref<1000000x32xf32, #tpu.memory_space<hbm>>
    tpu.wait_indirect_dma semaphore(%arg11 : memref<!tpu.dma_semaphore, #tpu.memory_space<semaphore_mem>>) src(%dma_wait3A_45 : memref<1000000x32xf32, #tpu.memory_space<hbm>>) dst(%arg7 : memref<800x32xf32, #tpu.memory_space<vmem>>)
    %add3A_46 = arith.constant 800 : i32
    %add3A_47 = arith.addi %mul3A_2, %add3A_46 : i32
    %dma_start3A_48 = arith.constant 0 : i32
    %dma_start3A_49 = tpu.memref_slice %arg4[%add3A_47, %dma_start3A_48] : memref<204800x32xf32, #tpu.memory_space<hbm>> -> memref<800x32xf32, #tpu.memory_space<hbm>>
    %dma_start3A_50 = arith.constant 0 : i32
    %dma_start3A_51 = tpu.memref_slice %arg4[%add3A_47, %dma_start3A_50] : memref<204800x32xf32, #tpu.memory_space<hbm>> -> memref<800x32xf32, #tpu.memory_space<hbm>>
    tpu.enqueue_dma source(%arg7 : memref<800x32xf32, #tpu.memory_space<vmem>>) target(%dma_start3A_51 : memref<800x32xf32, #tpu.memory_space<hbm>>) target_semaphore(%arg15 : memref<!tpu.dma_semaphore, #tpu.memory_space<semaphore_mem>>)
    %dma_wait3A_52 = arith.constant 0 : i32
    %dma_wait3A_53 = tpu.memref_slice %arg4[%add3A_47, %dma_wait3A_52] : memref<204800x32xf32, #tpu.memory_space<hbm>> -> memref<800x32xf32, #tpu.memory_space<hbm>>
    %dma_wait3A_54 = arith.constant 0 : i32
    %dma_wait3A_55 = tpu.memref_slice %arg4[%add3A_47, %dma_wait3A_54] : memref<204800x32xf32, #tpu.memory_space<hbm>> -> memref<800x32xf32, #tpu.memory_space<hbm>>
    tpu.wait_dma2 semaphore(%arg15 : memref<!tpu.dma_semaphore, #tpu.memory_space<semaphore_mem>>) src(%arg7 : memref<800x32xf32, #tpu.memory_space<vmem>>) dst(%dma_wait3A_55 : memref<800x32xf32, #tpu.memory_space<hbm>>)
    %dma_start3A_56 = arith.constant 4000 : i32
    %dma_start3A_57 = tpu.memref_slice %arg5[%dma_start3A_56] : memref<6400xi32, #tpu.memory_space<vmem>> -> memref<800xi32, #tpu.memory_space<vmem>>
    %dma_start3A_58 = arith.constant 0 : i32
    %dma_start3A_59 = arith.constant 0 : i32
    %dma_start3A_60 = tpu.memref_slice %arg3[%dma_start3A_58, %dma_start3A_59] : memref<1000000x32xf32, #tpu.memory_space<hbm>> -> memref<1000000x32xf32, #tpu.memory_space<hbm>>
    tpu.enqueue_indirect_dma source(%dma_start3A_60 : memref<1000000x32xf32, #tpu.memory_space<hbm>>) target(%arg7 : memref<800x32xf32, #tpu.memory_space<vmem>>) offsets(%dma_start3A_57 : memref<800xi32, #tpu.memory_space<vmem>>) semaphore(%arg11 : memref<!tpu.dma_semaphore, #tpu.memory_space<semaphore_mem>>)
    %dma_wait3A_61 = arith.constant 1600 : i32
    %dma_wait3A_62 = tpu.memref_slice %arg5[%dma_wait3A_61] : memref<6400xi32, #tpu.memory_space<vmem>> -> memref<800xi32, #tpu.memory_space<vmem>>
    %dma_wait3A_63 = arith.constant 0 : i32
    %dma_wait3A_64 = arith.constant 0 : i32
    %dma_wait3A_65 = tpu.memref_slice %arg3[%dma_wait3A_63, %dma_wait3A_64] : memref<1000000x32xf32, #tpu.memory_space<hbm>> -> memref<1000000x32xf32, #tpu.memory_space<hbm>>
    tpu.wait_indirect_dma semaphore(%arg12 : memref<!tpu.dma_semaphore, #tpu.memory_space<semaphore_mem>>) src(%dma_wait3A_65 : memref<1000000x32xf32, #tpu.memory_space<hbm>>) dst(%arg8 : memref<800x32xf32, #tpu.memory_space<vmem>>)
    %add3A_66 = arith.constant 1600 : i32
    %add3A_67 = arith.addi %mul3A_2, %add3A_66 : i32
    %dma_start3A_68 = arith.constant 0 : i32
    %dma_start3A_69 = tpu.memref_slice %arg4[%add3A_67, %dma_start3A_68] : memref<204800x32xf32, #tpu.memory_space<hbm>> -> memref<800x32xf32, #tpu.memory_space<hbm>>
    %dma_start3A_70 = arith.constant 0 : i32
    %dma_start3A_71 = tpu.memref_slice %arg4[%add3A_67, %dma_start3A_70] : memref<204800x32xf32, #tpu.memory_space<hbm>> -> memref<800x32xf32, #tpu.memory_space<hbm>>
    tpu.enqueue_dma source(%arg8 : memref<800x32xf32, #tpu.memory_space<vmem>>) target(%dma_start3A_71 : memref<800x32xf32, #tpu.memory_space<hbm>>) target_semaphore(%arg16 : memref<!tpu.dma_semaphore, #tpu.memory_space<semaphore_mem>>)
    %dma_wait3A_72 = arith.constant 0 : i32
    %dma_wait3A_73 = tpu.memref_slice %arg4[%add3A_67, %dma_wait3A_72] : memref<204800x32xf32, #tpu.memory_space<hbm>> -> memref<800x32xf32, #tpu.memory_space<hbm>>
    %dma_wait3A_74 = arith.constant 0 : i32
    %dma_wait3A_75 = tpu.memref_slice %arg4[%add3A_67, %dma_wait3A_74] : memref<204800x32xf32, #tpu.memory_space<hbm>> -> memref<800x32xf32, #tpu.memory_space<hbm>>
    tpu.wait_dma2 semaphore(%arg16 : memref<!tpu.dma_semaphore, #tpu.memory_space<semaphore_mem>>) src(%arg8 : memref<800x32xf32, #tpu.memory_space<vmem>>) dst(%dma_wait3A_75 : memref<800x32xf32, #tpu.memory_space<hbm>>)
    %dma_start3A_76 = arith.constant 4800 : i32
    %dma_start3A_77 = tpu.memref_slice %arg5[%dma_start3A_76] : memref<6400xi32, #tpu.memory_space<vmem>> -> memref<800xi32, #tpu.memory_space<vmem>>
    %dma_start3A_78 = arith.constant 0 : i32
    %dma_start3A_79 = arith.constant 0 : i32
    %dma_start3A_80 = tpu.memref_slice %arg3[%dma_start3A_78, %dma_start3A_79] : memref<1000000x32xf32, #tpu.memory_space<hbm>> -> memref<1000000x32xf32, #tpu.memory_space<hbm>>
    tpu.enqueue_indirect_dma source(%dma_start3A_80 : memref<1000000x32xf32, #tpu.memory_space<hbm>>) target(%arg8 : memref<800x32xf32, #tpu.memory_space<vmem>>) offsets(%dma_start3A_77 : memref<800xi32, #tpu.memory_space<vmem>>) semaphore(%arg12 : memref<!tpu.dma_semaphore, #tpu.memory_space<semaphore_mem>>)
    %dma_wait3A_81 = arith.constant 2400 : i32
    %dma_wait3A_82 = tpu.memref_slice %arg5[%dma_wait3A_81] : memref<6400xi32, #tpu.memory_space<vmem>> -> memref<800xi32, #tpu.memory_space<vmem>>
    %dma_wait3A_83 = arith.constant 0 : i32
    %dma_wait3A_84 = arith.constant 0 : i32
    %dma_wait3A_85 = tpu.memref_slice %arg3[%dma_wait3A_83, %dma_wait3A_84] : memref<1000000x32xf32, #tpu.memory_space<hbm>> -> memref<1000000x32xf32, #tpu.memory_space<hbm>>
    tpu.wait_indirect_dma semaphore(%arg13 : memref<!tpu.dma_semaphore, #tpu.memory_space<semaphore_mem>>) src(%dma_wait3A_85 : memref<1000000x32xf32, #tpu.memory_space<hbm>>) dst(%arg9 : memref<800x32xf32, #tpu.memory_space<vmem>>)
    %add3A_86 = arith.constant 2400 : i32
    %add3A_87 = arith.addi %mul3A_2, %add3A_86 : i32
    %dma_start3A_88 = arith.constant 0 : i32
    %dma_start3A_89 = tpu.memref_slice %arg4[%add3A_87, %dma_start3A_88] : memref<204800x32xf32, #tpu.memory_space<hbm>> -> memref<800x32xf32, #tpu.memory_space<hbm>>
    %dma_start3A_90 = arith.constant 0 : i32
    %dma_start3A_91 = tpu.memref_slice %arg4[%add3A_87, %dma_start3A_90] : memref<204800x32xf32, #tpu.memory_space<hbm>> -> memref<800x32xf32, #tpu.memory_space<hbm>>
    tpu.enqueue_dma source(%arg9 : memref<800x32xf32, #tpu.memory_space<vmem>>) target(%dma_start3A_91 : memref<800x32xf32, #tpu.memory_space<hbm>>) target_semaphore(%arg17 : memref<!tpu.dma_semaphore, #tpu.memory_space<semaphore_mem>>)
    %dma_wait3A_92 = arith.constant 0 : i32
    %dma_wait3A_93 = tpu.memref_slice %arg4[%add3A_87, %dma_wait3A_92] : memref<204800x32xf32, #tpu.memory_space<hbm>> -> memref<800x32xf32, #tpu.memory_space<hbm>>
    %dma_wait3A_94 = arith.constant 0 : i32
    %dma_wait3A_95 = tpu.memref_slice %arg4[%add3A_87, %dma_wait3A_94] : memref<204800x32xf32, #tpu.memory_space<hbm>> -> memref<800x32xf32, #tpu.memory_space<hbm>>
    tpu.wait_dma2 semaphore(%arg17 : memref<!tpu.dma_semaphore, #tpu.memory_space<semaphore_mem>>) src(%arg9 : memref<800x32xf32, #tpu.memory_space<vmem>>) dst(%dma_wait3A_95 : memref<800x32xf32, #tpu.memory_space<hbm>>)
    %dma_start3A_96 = arith.constant 5600 : i32
    %dma_start3A_97 = tpu.memref_slice %arg5[%dma_start3A_96] : memref<6400xi32, #tpu.memory_space<vmem>> -> memref<800xi32, #tpu.memory_space<vmem>>
    %dma_start3A_98 = arith.constant 0 : i32
    %dma_start3A_99 = arith.constant 0 : i32
    %dma_start3A_100 = tpu.memref_slice %arg3[%dma_start3A_98, %dma_start3A_99] : memref<1000000x32xf32, #tpu.memory_space<hbm>> -> memref<1000000x32xf32, #tpu.memory_space<hbm>>
    tpu.enqueue_indirect_dma source(%dma_start3A_100 : memref<1000000x32xf32, #tpu.memory_space<hbm>>) target(%arg9 : memref<800x32xf32, #tpu.memory_space<vmem>>) offsets(%dma_start3A_97 : memref<800xi32, #tpu.memory_space<vmem>>) semaphore(%arg13 : memref<!tpu.dma_semaphore, #tpu.memory_space<semaphore_mem>>)
    %dma_wait3A_101 = arith.constant 3200 : i32
    %dma_wait3A_102 = tpu.memref_slice %arg5[%dma_wait3A_101] : memref<6400xi32, #tpu.memory_space<vmem>> -> memref<800xi32, #tpu.memory_space<vmem>>
    %dma_wait3A_103 = arith.constant 0 : i32
    %dma_wait3A_104 = arith.constant 0 : i32
    %dma_wait3A_105 = tpu.memref_slice %arg3[%dma_wait3A_103, %dma_wait3A_104] : memref<1000000x32xf32, #tpu.memory_space<hbm>> -> memref<1000000x32xf32, #tpu.memory_space<hbm>>
    tpu.wait_indirect_dma semaphore(%arg10 : memref<!tpu.dma_semaphore, #tpu.memory_space<semaphore_mem>>) src(%dma_wait3A_105 : memref<1000000x32xf32, #tpu.memory_space<hbm>>) dst(%arg6 : memref<800x32xf32, #tpu.memory_space<vmem>>)
    %add3A_106 = arith.constant 3200 : i32
    %add3A_107 = arith.addi %mul3A_2, %add3A_106 : i32
    %dma_start3A_108 = arith.constant 0 : i32
    %dma_start3A_109 = tpu.memref_slice %arg4[%add3A_107, %dma_start3A_108] : memref<204800x32xf32, #tpu.memory_space<hbm>> -> memref<800x32xf32, #tpu.memory_space<hbm>>
    %dma_start3A_110 = arith.constant 0 : i32
    %dma_start3A_111 = tpu.memref_slice %arg4[%add3A_107, %dma_start3A_110] : memref<204800x32xf32, #tpu.memory_space<hbm>> -> memref<800x32xf32, #tpu.memory_space<hbm>>
    tpu.enqueue_dma source(%arg6 : memref<800x32xf32, #tpu.memory_space<vmem>>) target(%dma_start3A_111 : memref<800x32xf32, #tpu.memory_space<hbm>>) target_semaphore(%arg14 : memref<!tpu.dma_semaphore, #tpu.memory_space<semaphore_mem>>)
    %dma_wait3A_112 = arith.constant 4000 : i32
    %dma_wait3A_113 = tpu.memref_slice %arg5[%dma_wait3A_112] : memref<6400xi32, #tpu.memory_space<vmem>> -> memref<800xi32, #tpu.memory_space<vmem>>
    %dma_wait3A_114 = arith.constant 0 : i32
    %dma_wait3A_115 = arith.constant 0 : i32
    %dma_wait3A_116 = tpu.memref_slice %arg3[%dma_wait3A_114, %dma_wait3A_115] : memref<1000000x32xf32, #tpu.memory_space<hbm>> -> memref<1000000x32xf32, #tpu.memory_space<hbm>>
    tpu.wait_indirect_dma semaphore(%arg11 : memref<!tpu.dma_semaphore, #tpu.memory_space<semaphore_mem>>) src(%dma_wait3A_116 : memref<1000000x32xf32, #tpu.memory_space<hbm>>) dst(%arg7 : memref<800x32xf32, #tpu.memory_space<vmem>>)
    %add3A_117 = arith.constant 4000 : i32
    %add3A_118 = arith.addi %mul3A_2, %add3A_117 : i32
    %dma_start3A_119 = arith.constant 0 : i32
    %dma_start3A_120 = tpu.memref_slice %arg4[%add3A_118, %dma_start3A_119] : memref<204800x32xf32, #tpu.memory_space<hbm>> -> memref<800x32xf32, #tpu.memory_space<hbm>>
    %dma_start3A_121 = arith.constant 0 : i32
    %dma_start3A_122 = tpu.memref_slice %arg4[%add3A_118, %dma_start3A_121] : memref<204800x32xf32, #tpu.memory_space<hbm>> -> memref<800x32xf32, #tpu.memory_space<hbm>>
    tpu.enqueue_dma source(%arg7 : memref<800x32xf32, #tpu.memory_space<vmem>>) target(%dma_start3A_122 : memref<800x32xf32, #tpu.memory_space<hbm>>) target_semaphore(%arg15 : memref<!tpu.dma_semaphore, #tpu.memory_space<semaphore_mem>>)
    %dma_wait3A_123 = arith.constant 4800 : i32
    %dma_wait3A_124 = tpu.memref_slice %arg5[%dma_wait3A_123] : memref<6400xi32, #tpu.memory_space<vmem>> -> memref<800xi32, #tpu.memory_space<vmem>>
    %dma_wait3A_125 = arith.constant 0 : i32
    %dma_wait3A_126 = arith.constant 0 : i32
    %dma_wait3A_127 = tpu.memref_slice %arg3[%dma_wait3A_125, %dma_wait3A_126] : memref<1000000x32xf32, #tpu.memory_space<hbm>> -> memref<1000000x32xf32, #tpu.memory_space<hbm>>
    tpu.wait_indirect_dma semaphore(%arg12 : memref<!tpu.dma_semaphore, #tpu.memory_space<semaphore_mem>>) src(%dma_wait3A_127 : memref<1000000x32xf32, #tpu.memory_space<hbm>>) dst(%arg8 : memref<800x32xf32, #tpu.memory_space<vmem>>)
    %add3A_128 = arith.constant 4800 : i32
    %add3A_129 = arith.addi %mul3A_2, %add3A_128 : i32
    %dma_start3A_130 = arith.constant 0 : i32
    %dma_start3A_131 = tpu.memref_slice %arg4[%add3A_129, %dma_start3A_130] : memref<204800x32xf32, #tpu.memory_space<hbm>> -> memref<800x32xf32, #tpu.memory_space<hbm>>
    %dma_start3A_132 = arith.constant 0 : i32
    %dma_start3A_133 = tpu.memref_slice %arg4[%add3A_129, %dma_start3A_132] : memref<204800x32xf32, #tpu.memory_space<hbm>> -> memref<800x32xf32, #tpu.memory_space<hbm>>
    tpu.enqueue_dma source(%arg8 : memref<800x32xf32, #tpu.memory_space<vmem>>) target(%dma_start3A_133 : memref<800x32xf32, #tpu.memory_space<hbm>>) target_semaphore(%arg16 : memref<!tpu.dma_semaphore, #tpu.memory_space<semaphore_mem>>)
    %dma_wait3A_134 = arith.constant 5600 : i32
    %dma_wait3A_135 = tpu.memref_slice %arg5[%dma_wait3A_134] : memref<6400xi32, #tpu.memory_space<vmem>> -> memref<800xi32, #tpu.memory_space<vmem>>
    %dma_wait3A_136 = arith.constant 0 : i32
    %dma_wait3A_137 = arith.constant 0 : i32
    %dma_wait3A_138 = tpu.memref_slice %arg3[%dma_wait3A_136, %dma_wait3A_137] : memref<1000000x32xf32, #tpu.memory_space<hbm>> -> memref<1000000x32xf32, #tpu.memory_space<hbm>>
    tpu.wait_indirect_dma semaphore(%arg13 : memref<!tpu.dma_semaphore, #tpu.memory_space<semaphore_mem>>) src(%dma_wait3A_138 : memref<1000000x32xf32, #tpu.memory_space<hbm>>) dst(%arg9 : memref<800x32xf32, #tpu.memory_space<vmem>>)
    %add3A_139 = arith.constant 5600 : i32
    %add3A_140 = arith.addi %mul3A_2, %add3A_139 : i32
    %dma_start3A_141 = arith.constant 0 : i32
    %dma_start3A_142 = tpu.memref_slice %arg4[%add3A_140, %dma_start3A_141] : memref<204800x32xf32, #tpu.memory_space<hbm>> -> memref<800x32xf32, #tpu.memory_space<hbm>>
    %dma_start3A_143 = arith.constant 0 : i32
    %dma_start3A_144 = tpu.memref_slice %arg4[%add3A_140, %dma_start3A_143] : memref<204800x32xf32, #tpu.memory_space<hbm>> -> memref<800x32xf32, #tpu.memory_space<hbm>>
    tpu.enqueue_dma source(%arg9 : memref<800x32xf32, #tpu.memory_space<vmem>>) target(%dma_start3A_144 : memref<800x32xf32, #tpu.memory_space<hbm>>) target_semaphore(%arg17 : memref<!tpu.dma_semaphore, #tpu.memory_space<semaphore_mem>>)
    %dma_wait3A_145 = arith.constant 0 : i32
    %dma_wait3A_146 = tpu.memref_slice %arg4[%add3A_107, %dma_wait3A_145] : memref<204800x32xf32, #tpu.memory_space<hbm>> -> memref<800x32xf32, #tpu.memory_space<hbm>>
    %dma_wait3A_147 = arith.constant 0 : i32
    %dma_wait3A_148 = tpu.memref_slice %arg4[%add3A_107, %dma_wait3A_147] : memref<204800x32xf32, #tpu.memory_space<hbm>> -> memref<800x32xf32, #tpu.memory_space<hbm>>
    tpu.wait_dma2 semaphore(%arg14 : memref<!tpu.dma_semaphore, #tpu.memory_space<semaphore_mem>>) src(%arg6 : memref<800x32xf32, #tpu.memory_space<vmem>>) dst(%dma_wait3A_148 : memref<800x32xf32, #tpu.memory_space<hbm>>)
    %dma_wait3A_149 = arith.constant 0 : i32
    %dma_wait3A_150 = tpu.memref_slice %arg4[%add3A_118, %dma_wait3A_149] : memref<204800x32xf32, #tpu.memory_space<hbm>> -> memref<800x32xf32, #tpu.memory_space<hbm>>
    %dma_wait3A_151 = arith.constant 0 : i32
    %dma_wait3A_152 = tpu.memref_slice %arg4[%add3A_118, %dma_wait3A_151] : memref<204800x32xf32, #tpu.memory_space<hbm>> -> memref<800x32xf32, #tpu.memory_space<hbm>>
    tpu.wait_dma2 semaphore(%arg15 : memref<!tpu.dma_semaphore, #tpu.memory_space<semaphore_mem>>) src(%arg7 : memref<800x32xf32, #tpu.memory_space<vmem>>) dst(%dma_wait3A_152 : memref<800x32xf32, #tpu.memory_space<hbm>>)
    %dma_wait3A_153 = arith.constant 0 : i32
    %dma_wait3A_154 = tpu.memref_slice %arg4[%add3A_129, %dma_wait3A_153] : memref<204800x32xf32, #tpu.memory_space<hbm>> -> memref<800x32xf32, #tpu.memory_space<hbm>>
    %dma_wait3A_155 = arith.constant 0 : i32
    %dma_wait3A_156 = tpu.memref_slice %arg4[%add3A_129, %dma_wait3A_155] : memref<204800x32xf32, #tpu.memory_space<hbm>> -> memref<800x32xf32, #tpu.memory_space<hbm>>
    tpu.wait_dma2 semaphore(%arg16 : memref<!tpu.dma_semaphore, #tpu.memory_space<semaphore_mem>>) src(%arg8 : memref<800x32xf32, #tpu.memory_space<vmem>>) dst(%dma_wait3A_156 : memref<800x32xf32, #tpu.memory_space<hbm>>)
    %dma_wait3A_157 = arith.constant 0 : i32
    %dma_wait3A_158 = tpu.memref_slice %arg4[%add3A_140, %dma_wait3A_157] : memref<204800x32xf32, #tpu.memory_space<hbm>> -> memref<800x32xf32, #tpu.memory_space<hbm>>
    %dma_wait3A_159 = arith.constant 0 : i32
    %dma_wait3A_160 = tpu.memref_slice %arg4[%add3A_140, %dma_wait3A_159] : memref<204800x32xf32, #tpu.memory_space<hbm>> -> memref<800x32xf32, #tpu.memory_space<hbm>>
    tpu.wait_dma2 semaphore(%arg17 : memref<!tpu.dma_semaphore, #tpu.memory_space<semaphore_mem>>) src(%arg9 : memref<800x32xf32, #tpu.memory_space<vmem>>) dst(%dma_wait3A_160 : memref<800x32xf32, #tpu.memory_space<hbm>>)
    return
  }
}

</mosaic_0001>

<sc_bundles>
// kernel: kernel.3.cloned.1.call-start
scs
__scs_entry_jumppad:
0x0: {  	(pc) =	sbr.rel $0x88, $3  }
0x1: {  	(tag) =	ssettag $0x0;
	lr =	simm.s32 $0x1  }
0x2: {  	[smem:$0x3F9F] =	sst lr;
	_ =	strace $0xD0000000  }
0x3: {  	_ = 	snop  }
0x4: {  	_ = 	snop  }
0x5: {  	_ = 	snop  }
0x6: {  	_ = 	snop  }
0x7: {  	_ = 	snop  }
__scs_overlays_trampoline_lowered:
0x8: {  	[smem:$0x3FAE] =	sst s0  }
0x9: {  	[smem:$0x3FAF] =	sst s1  }
0xa: {  	[smem:$0x3FB0] =	sst s2  }
0xb: {  	[smem:$0x3FB1] =	sst s3  }
0xc: {  	[smem:$0x3FB2] =	sst s4  }
0xd: {  	[smem:$0x3FB3] =	sst s5  }
0xe: {  	[smem:$0x3FB4] =	sst s6  }
0xf: {  	[smem:$0x3FB5] =	sst s7  }
0x10: {  	[smem:$0x3FB6] =	sst s8  }
0x11: {  	[smem:$0x3FB7] =	sst s9;
	s0 =	simm.s32 @!p0 $0x0  }
0x12: {  	s1 =	sld [smem:$0x3F9D];
	s0 =	simm.s32 @p0 $0x1  }
0x13: {  	[smem:$0x3FB8] =	sst s0;
	s0 =	simm.s32 @!p1 $0x0  }
0x14: {  	s2 =	sld [smem:$0x3F9C];
	s0 =	simm.s32 @p1 $0x1  }
0x15: {  	[smem:$0x3FB9] =	sst s0;
	s0 =	simm.s32 @!p2 $0x0  }
0x16: {  	s3 =	sld [smem:$0x3FDB];
	s0 =	simm.s32 @p2 $0x1  }
0x17: {  	s4 =	simm.s32 $0x1BF5;
	[smem:$0x3FBB] =	sst s0  }
0x18: {  	s0 =	sld [smem:$0x3F9E];
	_ =	swait.ge [sflag:s4], $0x0  }
0x19: {  	s7 =	sld [smem:$0x3F9F]  }
0x1a: {  	s8 =	sadd.s32 $0xFFFFE003, lr  }
0x1b: {  	s9 =	sadd.s32 $0xFFFFFEF7, lr;
	s5 =	simm.s32 $0xFFFFFFFF;
	p2 =	slt.u32 s8, $0xFFFFF086  }
0x1c: {  	p1 =	slt.u32 s9, $0xF7A;
	s5 =	simm.s32 @!p2 $0x0  }
0x1d: {  	s5 =	simm.s32 @p1 $0x1;
	p0 =	seq.s32 s7, s2  }
0x1e: {  	s7 =	smul.u32 @!p0 $0xF7A, s2;
	p2 =	seq.s32 @!p0 s5, $0x0  }
0x1f: {  	s9 =	smul.u32 $0xF7A, s1;
	s8 =	simm.s32 @!p0 $0x1BF5;
	p2 =	por !p2, p0  }
0x20: {  	[sflag:s8] =	ssyncset.s32 @!p0 $0xFFFFF086;
	s6 =	sadd.s32 @!p0 s3, s7;
	s7 =	simm.s32 @!p0 $0x108  }
0x21: {  	s3 =	sadd.s32 s3, s9;
	s6 =	sadd.s32 @!p0 $0x88, s6;
	s7 =	simm.s32 @p2 $0x1082  }
0x22: {  	[simem:s7], [sflag:s8] =	dma.local @!p0 [hbm:s6], $0xF7A  }
0x23: {  	s9 =	sor.u32 $0xD0000000, s2;
	s6 =	simm.s32 $0x108;
	_ =	swait.ge @!p0 [sflag:s8], $0x0  }
0x24: {  	s3 =	sadd.s32 $0x88, s3;
	s6 =	simm.s32 @!p1 $0x1082;
	[sflag:s4] =	ssyncset.s32 $0xFFFFF086  }
0x25: {  	[simem:s6], [sflag:s4] =	dma.local [hbm:s3], $0xF7A  }
0x26: {  	[smem:$0x3F9F] =	sst s1;
	(tag) =	ssettag s2;
	_ =	strace s9  }
0x27: {  	s1 =	sld [smem:$0x3FAF]  }
0x28: {  	s2 =	sld [smem:$0x3FB0]  }
0x29: {  	s4 =	sld [smem:$0x3FB2]  }
0x2a: {  	p0 =	seq.s32 s5, $0x0;
	s5 =	sld [smem:$0x3FB3]  }
0x2b: {  	s6 =	sld [smem:$0x3FB4]  }
0x2c: {  	s7 =	sld [smem:$0x3FB5]  }
0x2d: {  	s3 =	simm.s32 $0x108;
	s8 =	sld [smem:$0x3FB6]  }
0x2e: {  	s3 =	simm.s32 @!p0 $0x1082;
	s9 =	sld [smem:$0x3FB7]  }
0x2f: {  	lr =	sadd.s32 s0, s3;
	s0 =	sld [smem:$0x3FAE]  }
0x30: {  	s3 =	sld [smem:$0x3FB1]  }
0x31: {  	[smem:$0x3FBA] =	sst s10  }
0x32: {  	s10 =	sld [smem:$0x3FB8];
	_ =	sdelay $0x3  }
0x33: {  	p0 =	seq.s32 s10, $0x1;
	s10 =	sld [smem:$0x3FBA];
	_ =	sdelay $0x3  }
0x34: {  	[smem:$0x3FBA] =	sst s10  }
0x35: {  	s10 =	sld [smem:$0x3FB9];
	_ =	sdelay $0x3  }
0x36: {  	p1 =	seq.s32 s10, $0x1;
	s10 =	sld [smem:$0x3FBA];
	_ =	sdelay $0x3  }
0x37: {  	[smem:$0x3FBA] =	sst s10  }
0x38: {  	s10 =	sld [smem:$0x3FBB]  }
0x39: {  	_ = 	snop;
	(pc) =	sbr.ind lr, $3  }
0x3a: {  	_ = 	snop  }
0x3b: {  	_ = 	snop  }
0x3c: {  	p2 =	seq.s32 s10, $0x1;
	s10 =	sld [smem:$0x3FBA]  }
0x3d: {  	_ =	shalt  }
0x3e: {  	_ =	shalt  }
0x3f: {  	_ =	shalt  }
0x40: {  	_ =	shalt  }
0x41: {  	_ =	shalt  }
0x42: {  	_ =	shalt  }
0x43: {  	_ =	shalt  }
0x44: {  	_ =	shalt  }
0x45: {  	_ =	shalt  }
0x46: {  	_ =	shalt  }
0x47: {  	_ =	shalt  }
0x48: {  	_ =	shalt  }
0x49: {  	_ =	shalt  }
0x4a: {  	_ =	shalt  }
0x4b: {  	_ =	shalt  }
0x4c: {  	_ =	shalt  }
0x4d: {  	_ =	shalt  }
0x4e: {  	_ =	shalt  }
0x4f: {  	_ =	shalt  }
0x50: {  	_ =	shalt  }
0x51: {  	_ =	shalt  }
0x52: {  	_ =	shalt  }
0x53: {  	_ =	shalt  }
0x54: {  	_ =	shalt  }
0x55: {  	_ =	shalt  }
0x56: {  	_ =	shalt  }
0x57: {  	_ =	shalt  }
0x58: {  	_ =	shalt  }
0x59: {  	_ =	shalt  }
0x5a: {  	_ =	shalt  }
0x5b: {  	_ =	shalt  }
0x5c: {  	_ =	shalt  }
0x5d: {  	_ =	shalt  }
0x5e: {  	_ =	shalt  }
0x5f: {  	_ =	shalt  }
0x60: {  	_ =	shalt  }
0x61: {  	_ =	shalt  }
0x62: {  	_ =	shalt  }
0x63: {  	_ =	shalt  }
0x64: {  	_ =	shalt  }
0x65: {  	_ =	shalt  }
0x66: {  	_ =	shalt  }
0x67: {  	_ =	shalt  }
0x68: {  	_ =	shalt  }
0x69: {  	_ =	shalt  }
0x6a: {  	_ =	shalt  }
0x6b: {  	_ =	shalt  }
0x6c: {  	_ =	shalt  }
0x6d: {  	_ =	shalt  }
0x6e: {  	_ =	shalt  }
0x6f: {  	_ =	shalt  }
0x70: {  	_ =	shalt  }
0x71: {  	_ =	shalt  }
0x72: {  	_ =	shalt  }
0x73: {  	_ =	shalt  }
0x74: {  	_ =	shalt  }
0x75: {  	_ =	shalt  }
0x76: {  	_ =	shalt  }
0x77: {  	_ =	shalt  }
0x78: {  	_ =	shalt  }
0x79: {  	_ =	shalt  }
0x7a: {  	_ =	shalt  }
0x7b: {  	_ =	shalt  }
0x7c: {  	_ =	shalt  }
0x7d: {  	_ =	shalt  }
0x7e: {  	_ =	shalt  }
0x7f: {  	_ =	shalt  }
0x80: {  	_ =	shalt  }
0x81: {  	_ =	shalt  }
0x82: {  	_ =	shalt  }
0x83: {  	_ =	shalt  }
0x84: {  	_ =	shalt  }
0x85: {  	_ =	shalt  }
0x86: {  	_ =	shalt  }
0x87: {  	_ =	shalt  }
.Lfunc_end0:
.L_simem_size_0:
called_computation_lowered:
.L_overlay_start_0:
0x88: {  	s2 =	sld [smem:$0x3FD9]  }
0x89: {  	s3 =	sld [smem:$0x3FFE];
	_ =	sdelay $0x1  }
0x8a: {  	s1 =	srdreg.scid  }
0x8b: {  	s0 =	sand.u32 $0x1, s1  }
0x8c: {  	s17 =	sshll.u32 s0, $0xA;
	s2 =	sadd.s32 s3, s2  }
0x8d: {  	s2 =	sadd.s32 s2, s17  }
0x8e: {  	[smem:$0x3FC6] =	sst s2  }
0x8f: {  	_ = 	snop  }
0x90: {  	s2 =	sld [smem:$0x3FD0];
	(tm) =	ssettm $0x1  }
0x91: {  	s18 =	sld [smem:$0x3FFB];
	_ =	sdelay $0x3  }
0x92: {  	_ =	strace s18  }
0x93: {  	s3 =	sld [smem:$0x3FFC];
	_ =	sdelay $0x3  }
0x94: {  	_ =	strace s3  }
0x95: {  	s3 =	sld [smem:$0x3FFD];
	_ =	sdelay $0x3  }
0x96: {  	_ =	strace s3  }
0x97: {  	_ =	strace $0x8FFFFFFF  }
0x98: {  	s19 =	sld [smem:$0x3FDB];
	_ =	sdelay $0x1  }
0x99: {  	s4 =	simm.s32 $_scs_section_size  }
0x9a: {  	s5 =	simm.s32 $_size__tile_overlayer_lowered;
	s6 =	simm.s32 $_tile_overlayer_lowered  }
0x9b: {  	s22 =	simm.s32 $0x1BFF;
	s21 =	sshll.u32 s6, $0x1;
	s3 =	sadd.s32 s4, s19  }
0x9c: {  	s7 =	simm.s32 $0x0;
	s20 =	sshll.u32 s5, $0x1;
	s5 =	sadd.s32 s21, s3  }
0x9d: {  	[timem:s7], [sflag:s22] =	dma.local [hbm:s5], s20  }
0x9e: {  	_ =	swait.ge [sflag:s22], s20  }
0x9f: {  	s4 =	ssub.s32 $0x0, s20;
	[sflag:s22] =	ssyncset.done $0x0  }
0xa0: {  	[sflag:s22] =	ssyncadd.s32 s4;
	_ =	sdelay $0x1  }
0xa1: {  	s23 =	simm.s32 $0x1B8B  }
0xa2: {  	_ =	swait.ge [sflag:s23], $0x1  }
0xa3: {  	[sflag:s23] =	ssyncset.done $0x0  }
0xa4: {  	s25 =	simm.s32 $0x1B8E;
	s24 =	sld [smem:$0x3FFE];
	[sflag:s23] =	ssyncadd.s32 $0xFFFFFFFF  }
0xa5: {  	s26 =	simm.s32 $execute0_lowered;
	[smem:$0x3FD2] =	sst s25  }
0xa6: {  	s5 =	sshll.u32 s26, $0x1;
	_ =	strace $0x80000046;
	[dreg:$0x1] =	wrdreg $0xFFFFFFFF  }
0xa7: {  	s28 =	simm.s32 $_size_execute0_lowered;
	s3 =	sadd.s32 s3, s5;
	[dreg:$0x0] =	wrdreg $0x0  }
0xa8: {  	s5 =	sshll.u32 s28, $0x1;
	[dreg:$0x2] =	wrdreg s3  }
0xa9: {  	[dreg:$0x3] =	wrdreg s5  }
0xaa: {  	[dreg:$0x4] =	wrdreg $0xC0  }
0xab: {  	_ =	task [dreg:s7], $0x5FFFF  }
0xac: {  	[dreg:$0x1] =	wrdreg $0xFFFFFFFF  }
0xad: {  	[dreg:$0x0] =	wrdreg $0x60  }
0xae: {  	[dreg:$0x2] =	wrdreg s24  }
0xaf: {  	[dreg:$0x3] =	wrdreg s2  }
0xb0: {  	[dreg:$0x4] =	wrdreg $0x9  }
0xb1: {  	_ =	task.clear_ibuf [dreg:s7], $0x5FFFF;
	_ =	strace $0x90000046  }
0xb2: {  	s29 =	simm.s32 $0x9;
	_ =	strace $0x80000048  }
0xb3: {  	_ =	swait.ge [sflag:s29], $0x1  }
0xb4: {  	[sflag:s29] =	ssyncadd.s32 $0xFFFFFFFF  }
0xb5: {  	_ =	strace $0x90000048  }
0xb6: {  	_ =	sfence  }
0xb7: {  	s30 =	sld [smem:$0x0];
	_ =	sdelay $0x2  }
0xb8: {  	s31 =	sshll.u32 s1, $0xD;
	s1 =	sshrl.u32 s1, $0x2  }
0xb9: {  	s3 =	sand.u32 $0x4000, s31;
	s1 =	sadd.s32 s1, s30  }
0xba: {  	s0 =	sor.u32 s3, s0;
	s1 =	sshll.u32 s1, $0x11  }
0xbb: {  	s0 =	sor.u32 s1, s0  }
0xbc: {  	s0 =	sadd.s32 $0x8F2B, s0  }
0xbd: {  	[sflag:s0] =	ssyncadd.remote.s32 $0x1  }
0xbe: {  	_ =	sfence.sel $0xFFFF  }
0xbf: {  	[dreg:$0x0] =	wrdreg $0xFFFFFFFF;
	(pc) =	sbr.abs _section_cstart, $3  }
0xc0: {  	[dreg:$0x1] =	wrdreg $0xFFFFFFFF  }
0xc1: {  	_ =	task.clear_ibuf [dreg:s7], $0x2FFFF;
	_ =	strace $0x9FFFFFFF  }
0xc2: {  	(tm) =	ssettm $0x7FFFFFFF  }
0xc3: {  	_ =	shalt  }
tec
execute0_lowered:
.L_overlay_start_1:
0x0: {  	(tag) =	ssettag $0x1  }
0x1: {  	s1 =	srdreg.scid;
	s0 =	stileid.u32  }
0x2: {  	s1 =	sand.u32 $0x1, s1;
	s2 =	sshll.u32 s0, $0x1  }
0x3: {  	s14 =	sor.u32 s1, s2  }
0x4: {  	s3 =	smul.u32 $0x320, s14  }
0x5: {  	s4 =	rddreg [dreg:$0x0]  }
0x6: {  	s16 =	rddreg [dreg:$0x1];
	s2 =	simm.s32 $0x0;
	s3 =	sadd.s32 s3, s4  }
0x7: {  	[smem:$0x7FF] =	sst s2;
	s26 =	smul.u32 $0x6400, s14;
	s3 =	sadd.s32 $0x600, s3  }
0x8: {  	_ =	strace $0x80000047;
	[dreg:$0x3] =	wrdreg s3  }
0x9: {  	s3 =	sadd.s32 s16, s26;
	s5 =	rddreg [dreg:$0x3]  }
0xa: {  	[dreg:$0x4] =	wrdreg s3;
	s3 =	simm.s32 $0x9  }
0xb: {  	[tilespmem:s2], [sflag:$0x9] =	stream.linear.gather [hbm4b:s5+s2], $0x1900, $0x38;
	[tilespmem:$0x1A900] =	vst v63  }
0xc: {  	_ =	swait.ge [sflag:s3], $0x1900  }
0xd: {  	s6 =	simm.s32 $0x1900;
	[sflag:s3] =	ssyncset.done $0x0  }
0xe: {  	s4 =	sadd.s32 $0xF42A00, s4;
	s5 =	simm.s32 $0x320;
	[sflag:s3] =	ssyncadd.s32 $0xFFFFE700  }
0xf: {  	[tilespmem:s6], [sflag:$0x1] =	stream.indirect.gather [hbm4b:s4+s5], $0x20, s2, s5, $0xb8;
	[tilespmem:$0x1A900] =	vst v63  }
0x10: {  	s7 =	simm.s32 $0x7D00  }
0x11: {  	[tilespmem:s7], [sflag:$0x2] =	stream.indirect.gather [hbm4b:s4+s5], $0x20, s5, s5, $0xb8;
	[tilespmem:$0x1A900] =	vst v63  }
0x12: {  	s8 =	simm.s32 $0x640;
	s9 =	simm.s32 $0xE100  }
0x13: {  	[tilespmem:s9], [sflag:$0x3] =	stream.indirect.gather [hbm4b:s4+s5], $0x20, s8, s5, $0xb8;
	[tilespmem:$0x1A900] =	vst v63  }
0x14: {  	s10 =	simm.s32 $0x960;
	s11 =	simm.s32 $0x14500;
	s12 =	simm.s32 $0x1  }
0x15: {  	[tilespmem:s11], [sflag:$0x4] =	stream.indirect.gather [hbm4b:s4+s5], $0x20, s10, s5, $0xb8;
	[tilespmem:$0x1A900] =	vst v63  }
0x16: {  	_ =	swait.ge [sflag:s12], $0x6400  }
0x17: {  	[sflag:s12] =	ssyncset.done $0x0  }
0x18: {  	s13 =	simm.s32 $0x5;
	s15 =	rddreg [dreg:$0x4];
	[sflag:s12] =	ssyncadd.s32 $0xFFFF9C00  }
0x19: {  	[hbm4b:s15+s2] =	stream.linear.scatter [tilespmem:s6], [sflag:$0x5], $0x6400, $0x38;
	[tilespmem:$0x1A900] =	vst v63  }
0x1a: {  	_ =	swait.ge [sflag:s13], $0x6400  }
0x1b: {  	s17 =	smul.u32 $0x32000, s14;
	[sflag:s13] =	ssyncset.done $0x0  }
0x1c: {  	s14 =	simm.s32 $0xC80;
	s15 =	simm.s32 $0x2;
	[sflag:s13] =	ssyncadd.s32 $0xFFFF9C00  }
0x1d: {  	[tilespmem:s6], [sflag:$0x1] =	stream.indirect.gather [hbm4b:s4+s5], $0x20, s14, s5, $0xb8;
	[tilespmem:$0x1A900] =	vst v63  }
0x1e: {  	s17 =	sshrl.u32 s17, $0x3;
	_ =	swait.ge [sflag:s15], $0x6400  }
0x1f: {  	s31 =	sadd.s32 s16, s17;
	[sflag:s15] =	ssyncset.done $0x0  }
0x20: {  	s17 =	simm.s32 $0x6;
	s16 =	sadd.s32 $0xC80, s31;
	[sflag:s15] =	ssyncadd.s32 $0xFFFF9C00  }
0x21: {  	[hbm4b:s16+s2] =	stream.linear.scatter [tilespmem:s7], [sflag:$0x6], $0x6400, $0x38;
	[tilespmem:$0x1A900] =	vst v63  }
0x22: {  	_ =	swait.ge [sflag:s17], $0x6400  }
0x23: {  	[sflag:s17] =	ssyncset.done $0x0  }
0x24: {  	s18 =	simm.s32 $0xFA0;
	s19 =	simm.s32 $0x3;
	[sflag:s17] =	ssyncadd.s32 $0xFFFF9C00  }
0x25: {  	[tilespmem:s7], [sflag:$0x2] =	stream.indirect.gather [hbm4b:s4+s5], $0x20, s18, s5, $0xb8;
	[tilespmem:$0x1A900] =	vst v63  }
0x26: {  	_ =	swait.ge [sflag:s19], $0x6400  }
0x27: {  	[sflag:s19] =	ssyncset.done $0x0  }
0x28: {  	s21 =	simm.s32 $0x7;
	s20 =	sadd.s32 $0x1900, s31;
	[sflag:s19] =	ssyncadd.s32 $0xFFFF9C00  }
0x29: {  	[hbm4b:s20+s2] =	stream.linear.scatter [tilespmem:s9], [sflag:$0x7], $0x6400, $0x38;
	[tilespmem:$0x1A900] =	vst v63  }
0x2a: {  	_ =	swait.ge [sflag:s21], $0x6400  }
0x2b: {  	[sflag:s21] =	ssyncset.done $0x0  }
0x2c: {  	s22 =	simm.s32 $0x12C0;
	s23 =	simm.s32 $0x4;
	[sflag:s21] =	ssyncadd.s32 $0xFFFF9C00  }
0x2d: {  	[tilespmem:s9], [sflag:$0x3] =	stream.indirect.gather [hbm4b:s4+s5], $0x20, s22, s5, $0xb8;
	[tilespmem:$0x1A900] =	vst v63  }
0x2e: {  	_ =	swait.ge [sflag:s23], $0x6400  }
0x2f: {  	[sflag:s23] =	ssyncset.done $0x0  }
0x30: {  	s24 =	simm.s32 $0x8;
	s25 =	sadd.s32 $0x2580, s31;
	[sflag:s23] =	ssyncadd.s32 $0xFFFF9C00  }
0x31: {  	[hbm4b:s25+s2] =	stream.linear.scatter [tilespmem:s11], [sflag:$0x8], $0x6400, $0x38;
	[tilespmem:$0x1A900] =	vst v63  }
0x32: {  	_ =	swait.ge [sflag:s24], $0x6400  }
0x33: {  	[sflag:s24] =	ssyncset.done $0x0  }
0x34: {  	s26 =	simm.s32 $0x15E0;
	[sflag:s24] =	ssyncadd.s32 $0xFFFF9C00  }
0x35: {  	[tilespmem:s11], [sflag:$0x4] =	stream.indirect.gather [hbm4b:s4+s5], $0x20, s26, s5, $0xb8;
	[tilespmem:$0x1A900] =	vst v63  }
0x36: {  	_ =	swait.ge [sflag:s12], $0x6400  }
0x37: {  	[sflag:s12] =	ssyncset.done $0x0  }
0x38: {  	s28 =	sadd.s32 $0x3200, s31;
	[sflag:s12] =	ssyncadd.s32 $0xFFFF9C00  }
0x39: {  	[hbm4b:s28+s2] =	stream.linear.scatter [tilespmem:s6], [sflag:$0x5], $0x6400, $0x38;
	[tilespmem:$0x1A900] =	vst v63  }
0x3a: {  	_ =	swait.ge [sflag:s15], $0x6400  }
0x3b: {  	[sflag:s15] =	ssyncset.done $0x0  }
0x3c: {  	s29 =	sadd.s32 $0x3E80, s31;
	[sflag:s15] =	ssyncadd.s32 $0xFFFF9C00  }
0x3d: {  	[hbm4b:s29+s2] =	stream.linear.scatter [tilespmem:s7], [sflag:$0x6], $0x6400, $0x38;
	[tilespmem:$0x1A900] =	vst v63  }
0x3e: {  	_ =	swait.ge [sflag:s19], $0x6400  }
0x3f: {  	[sflag:s19] =	ssyncset.done $0x0  }
0x40: {  	s30 =	sadd.s32 $0x4B00, s31;
	[sflag:s19] =	ssyncadd.s32 $0xFFFF9C00  }
0x41: {  	[hbm4b:s30+s2] =	stream.linear.scatter [tilespmem:s9], [sflag:$0x7], $0x6400, $0x38;
	[tilespmem:$0x1A900] =	vst v63  }
0x42: {  	_ =	swait.ge [sflag:s23], $0x6400  }
0x43: {  	[sflag:s23] =	ssyncset.done $0x0  }
0x44: {  	s31 =	sadd.s32 $0x5780, s31;
	[sflag:s23] =	ssyncadd.s32 $0xFFFF9C00  }
0x45: {  	[hbm4b:s31+s2] =	stream.linear.scatter [tilespmem:s11], [sflag:$0x8], $0x6400, $0x38;
	[tilespmem:$0x1A900] =	vst v63  }
0x46: {  	s1 =	ssub.s32 $0x2, s1;
	_ =	swait.ge [sflag:s13], $0x6400  }
0x47: {  	s0 =	sshrl.u32 s1, $0x1;
	[sflag:s13] =	ssyncset.done $0x0  }
0x48: {  	s0 =	ssub.s32 s1, s0;
	[sflag:s13] =	ssyncadd.s32 $0xFFFF9C00  }
0x49: {  	s0 =	smax.u32 s0, $0x1;
	_ =	swait.ge [sflag:s17], $0x6400  }
0x4a: {  	p0 =	sne.s32 s0, $0x1;
	[sflag:s17] =	ssyncset.done $0x0  }
.Ltmp0:
0x4b: {  	[sflag:s17] =	ssyncadd.s32 $0xFFFF9C00;
	(pc) =	sbr.rel @!p0 .LBB2_2-.Ltmp0, $4  }
0x4c: {  	_ =	swait.ge [sflag:s21], $0x6400  }
0x4d: {  	[sflag:s21] =	ssyncset.done $0x0  }
0x4e: {  	[sflag:s21] =	ssyncadd.s32 $0xFFFF9C00  }
0x4f: {  	s1 =	sadd.s32 $0xFFFFFFFF, s0;
	_ =	swait.ge [sflag:s24], $0x6400  }
.LBB2_1:
0x50: {  	[sflag:s24] =	ssyncset.done $0x0  }
0x51: {  	s0 =	rddreg [dreg:$0x3];
	[sflag:s24] =	ssyncadd.s32 $0xFFFF9C00  }
0x52: {  	[tilespmem:s2], [sflag:$0x9] =	stream.linear.gather [hbm4b:s0+s2], $0x1900, $0x38;
	[tilespmem:$0x1A900] =	vst v63  }
0x53: {  	_ =	swait.ge [sflag:s3], $0x1900  }
0x54: {  	[sflag:s3] =	ssyncset.done $0x0  }
0x55: {  	[sflag:s3] =	ssyncadd.s32 $0xFFFFE700  }
0x56: {  	[tilespmem:s6], [sflag:$0x1] =	stream.indirect.gather [hbm4b:s4+s5], $0x20, s2, s5, $0xb8;
	[tilespmem:$0x1A900] =	vst v63  }
0x57: {  	_ = 	snop  }
0x58: {  	[tilespmem:s7], [sflag:$0x2] =	stream.indirect.gather [hbm4b:s4+s5], $0x20, s5, s5, $0xb8;
	[tilespmem:$0x1A900] =	vst v63  }
0x59: {  	_ = 	snop  }
0x5a: {  	[tilespmem:s9], [sflag:$0x3] =	stream.indirect.gather [hbm4b:s4+s5], $0x20, s8, s5, $0xb8;
	[tilespmem:$0x1A900] =	vst v63  }
0x5b: {  	_ = 	snop  }
0x5c: {  	[tilespmem:s11], [sflag:$0x4] =	stream.indirect.gather [hbm4b:s4+s5], $0x20, s10, s5, $0xb8;
	[tilespmem:$0x1A900] =	vst v63  }
0x5d: {  	_ =	swait.ge [sflag:s12], $0x6400  }
0x5e: {  	[sflag:s12] =	ssyncset.done $0x0  }
0x5f: {  	s0 =	rddreg [dreg:$0x4];
	[sflag:s12] =	ssyncadd.s32 $0xFFFF9C00  }
0x60: {  	[hbm4b:s0+s2] =	stream.linear.scatter [tilespmem:s6], [sflag:$0x5], $0x6400, $0x38;
	[tilespmem:$0x1A900] =	vst v63  }
0x61: {  	_ =	swait.ge [sflag:s13], $0x6400  }
0x62: {  	[sflag:s13] =	ssyncset.done $0x0  }
0x63: {  	[sflag:s13] =	ssyncadd.s32 $0xFFFF9C00  }
0x64: {  	[tilespmem:s6], [sflag:$0x1] =	stream.indirect.gather [hbm4b:s4+s5], $0x20, s14, s5, $0xb8;
	[tilespmem:$0x1A900] =	vst v63  }
0x65: {  	_ =	swait.ge [sflag:s15], $0x6400  }
0x66: {  	[sflag:s15] =	ssyncset.done $0x0  }
0x67: {  	[sflag:s15] =	ssyncadd.s32 $0xFFFF9C00  }
0x68: {  	[hbm4b:s16+s2] =	stream.linear.scatter [tilespmem:s7], [sflag:$0x6], $0x6400, $0x38;
	[tilespmem:$0x1A900] =	vst v63  }
0x69: {  	_ =	swait.ge [sflag:s17], $0x6400  }
0x6a: {  	[sflag:s17] =	ssyncset.done $0x0  }
0x6b: {  	[sflag:s17] =	ssyncadd.s32 $0xFFFF9C00  }
0x6c: {  	[tilespmem:s7], [sflag:$0x2] =	stream.indirect.gather [hbm4b:s4+s5], $0x20, s18, s5, $0xb8;
	[tilespmem:$0x1A900] =	vst v63  }
0x6d: {  	_ =	swait.ge [sflag:s19], $0x6400  }
0x6e: {  	[sflag:s19] =	ssyncset.done $0x0  }
0x6f: {  	[sflag:s19] =	ssyncadd.s32 $0xFFFF9C00  }
0x70: {  	[hbm4b:s20+s2] =	stream.linear.scatter [tilespmem:s9], [sflag:$0x7], $0x6400, $0x38;
	[tilespmem:$0x1A900] =	vst v63  }
0x71: {  	_ =	swait.ge [sflag:s21], $0x6400  }
0x72: {  	[sflag:s21] =	ssyncset.done $0x0  }
0x73: {  	[sflag:s21] =	ssyncadd.s32 $0xFFFF9C00  }
0x74: {  	[tilespmem:s9], [sflag:$0x3] =	stream.indirect.gather [hbm4b:s4+s5], $0x20, s22, s5, $0xb8;
	[tilespmem:$0x1A900] =	vst v63  }
0x75: {  	_ =	swait.ge [sflag:s23], $0x6400  }
0x76: {  	[sflag:s23] =	ssyncset.done $0x0  }
0x77: {  	[sflag:s23] =	ssyncadd.s32 $0xFFFF9C00  }
0x78: {  	[hbm4b:s25+s2] =	stream.linear.scatter [tilespmem:s11], [sflag:$0x8], $0x6400, $0x38;
	[tilespmem:$0x1A900] =	vst v63  }
0x79: {  	_ =	swait.ge [sflag:s24], $0x6400  }
0x7a: {  	[sflag:s24] =	ssyncset.done $0x0  }
0x7b: {  	[sflag:s24] =	ssyncadd.s32 $0xFFFF9C00  }
0x7c: {  	[tilespmem:s11], [sflag:$0x4] =	stream.indirect.gather [hbm4b:s4+s5], $0x20, s26, s5, $0xb8;
	[tilespmem:$0x1A900] =	vst v63  }
0x7d: {  	_ =	swait.ge [sflag:s12], $0x6400  }
0x7e: {  	[sflag:s12] =	ssyncset.done $0x0  }
0x7f: {  	[sflag:s12] =	ssyncadd.s32 $0xFFFF9C00  }
0x80: {  	[hbm4b:s28+s2] =	stream.linear.scatter [tilespmem:s6], [sflag:$0x5], $0x6400, $0x38;
	[tilespmem:$0x1A900] =	vst v63  }
0x81: {  	_ =	swait.ge [sflag:s15], $0x6400  }
0x82: {  	[sflag:s15] =	ssyncset.done $0x0  }
0x83: {  	[sflag:s15] =	ssyncadd.s32 $0xFFFF9C00  }
0x84: {  	[hbm4b:s29+s2] =	stream.linear.scatter [tilespmem:s7], [sflag:$0x6], $0x6400, $0x38;
	[tilespmem:$0x1A900] =	vst v63  }
0x85: {  	_ =	swait.ge [sflag:s19], $0x6400  }
0x86: {  	[sflag:s19] =	ssyncset.done $0x0  }
0x87: {  	[sflag:s19] =	ssyncadd.s32 $0xFFFF9C00  }
0x88: {  	[hbm4b:s30+s2] =	stream.linear.scatter [tilespmem:s9], [sflag:$0x7], $0x6400, $0x38;
	[tilespmem:$0x1A900] =	vst v63  }
0x89: {  	_ =	swait.ge [sflag:s23], $0x6400  }
0x8a: {  	[sflag:s23] =	ssyncset.done $0x0  }
0x8b: {  	[sflag:s23] =	ssyncadd.s32 $0xFFFF9C00  }
0x8c: {  	[hbm4b:s31+s2] =	stream.linear.scatter [tilespmem:s11], [sflag:$0x8], $0x6400, $0x38;
	[tilespmem:$0x1A900] =	vst v63  }
0x8d: {  	_ =	swait.ge [sflag:s13], $0x6400  }
0x8e: {  	[sflag:s13] =	ssyncset.done $0x0  }
0x8f: {  	[sflag:s13] =	ssyncadd.s32 $0xFFFF9C00  }
0x90: {  	_ =	swait.ge [sflag:s17], $0x6400  }
0x91: {  	p0 =	sne.s32 s1, $0x1;
	[sflag:s17] =	ssyncset.done $0x0  }
.Ltmp1:
0x92: {  	[sflag:s17] =	ssyncadd.s32 $0xFFFF9C00;
	(pc) =	sbr.rel @p0 .LBB2_1-.Ltmp1, $4  }
0x93: {  	_ =	swait.ge [sflag:s21], $0x6400  }
0x94: {  	[sflag:s21] =	ssyncset.done $0x0  }
0x95: {  	[sflag:s21] =	ssyncadd.s32 $0xFFFF9C00  }
0x96: {  	s1 =	sadd.s32 $0xFFFFFFFF, s1;
	_ =	swait.ge [sflag:s24], $0x6400  }
.LBB2_2:
0x97: {  	[sflag:s24] =	ssyncset.done $0x0  }
0x98: {  	[sflag:s24] =	ssyncadd.s32 $0xFFFF9C00  }
0x99: {  	_ =	sfence.sel $0x180000  }
0x9a: {  	[bflag:$0x0] =	sbarrier.arrive $0xFFFF  }
0x9b: {  	_ =	strace $0x90000047  }
0x9c: {  	s0 =	stileid.u32;
	[bflag:$0x2] =	sbarrier.arrive $0xFFFF  }
0x9d: {  	p0 =	sne.s32 s0, $0x0;
	s0 =	rddreg [dreg:$0x2]  }
0x9e: {  	s0 =	sadd.s32 @!p0 $0x100000, s0  }
0x9f: {  	[sflag:s0] =	ssyncadd.tile.s32 @!p0 $0x1;
	_ =	shalt  }
.Lfunc_end2:
_tile_overlayer_lowered:
.L_overlay_start_2:
0xa0: {  	(tag) =	ssettag $0x2  }
0xa1: {  	s0 =	rddreg [dreg:$0x0];
	s2 =	stileid.u32  }
0xa2: {  	s1 =	rddreg [dreg:$0x1];
	p0 =	sne.s32 s2, $0x0  }
0xa3: {  	s3 =	rddreg [dreg:$0x2];
	[bflag:$0x3] =	sbarrier.arrive $0xFFFF;
	s2 =	simm.s32 @!p0 $0x1C09  }
0xa4: {  	[timem:s3], [sflag:s2] =	dma.local @!p0 [hbm:s0], s1  }
0xa5: {  	s0 =	simm.s32 @!p0 $0x9  }
0xa6: {  	_ =	swait.ge @!p0 [sflag:s0], s1  }
0xa7: {  	s1 =	ssub.s32 @!p0 $0x0, s1;
	[sflag:s0] =	ssyncset.done @!p0 $0x0  }
0xa8: {  	[sflag:s0] =	ssyncadd.s32 @!p0 s1  }
0xa9: {  	[bflag:$0x3] =	sbarrier.arrive $0xFFFF  }
0xaa: {  	_ =	shalt  }

</sc_bundles>
